<compile_context>
chip_gen: v7x
topology: tpu7x:2x2x1
jax: 0.10.2.dev20260603
libtpu: 0.0.44.dev20260713+nightly
codegen_flags: <defaults>
</compile_context>

<pallas_src>
import functools

import jax
import jax.numpy as jnp
from jax import lax
from jax.experimental import pallas as pl
from jax.experimental.pallas import tpu as pltpu
from jax.experimental.pallas import tpu_sc as plsc

_NC = 2
_NS = 16
_NW = _NC * _NS
_LANES = 16

_BR = 256
_GCHUNK = 128
_SPLIT = (4096, 4096)

_DNUMS = (((1,), (1,)), ((), ()))


def _k1_body(adj_ref, x_ref, w1_ref, b_ref, zd_ref, w2_ref,
             deg_ref, part_ref, zproj_ref, max_degree):
    adj = adj_ref[...]
    deg = jnp.sum(adj, axis=1)
    deg_ref[0, 0, :] = jnp.minimum(deg, max_degree)
    part_ref[...] = (
        lax.dot_general(0.7 * x_ref[...], w1_ref[...], _DNUMS,
                        preferred_element_type=jnp.float32)
        + b_ref[...]
    )

    @pl.when(pl.program_id(0) == 0)
    def _():
        zproj_ref[...] = 0.3 * lax.dot_general(
            zd_ref[...], w2_ref[...], _DNUMS, preferred_element_type=jnp.float32
        )


def _k1_tail_body(adj_ref, x_ref, w1_ref, b_ref, zproj_ref, out_ref,
                  max_degree):
    adj = adj_ref[...]
    deg = jnp.minimum(jnp.sum(adj, axis=1), max_degree)
    v = zproj_ref.shape[0]
    onehot = (
        lax.broadcasted_iota(jnp.int32, (adj.shape[0], v), 1) == deg[:, None]
    ).astype(jnp.float32)
    gathered = jnp.dot(onehot, zproj_ref[...],
                       preferred_element_type=jnp.float32)
    out_ref[...] = (
        lax.dot_general(0.7 * x_ref[...], w1_ref[...], _DNUMS,
                        preferred_element_type=jnp.float32)
        + b_ref[...]
        + gathered
    )


def _make_sc_finisher(n, d, v, rows_c):
    units = rows_c // _GCHUNK
    lo = units // _NW
    n_hi = units % _NW
    hi = lo + 1
    max_units = hi if n_hi else lo
    mesh = plsc.VectorSubcoreMesh(core_axis_name="c", subcore_axis_name="s")

    @functools.partial(
        pl.kernel,
        out_type=jax.ShapeDtypeStruct((n // _GCHUNK, _GCHUNK, d), jnp.float32),
        mesh=mesh,
        scratch_types=[
            pltpu.VMEM_SHARED((v, d), jnp.float32),
            pltpu.VMEM((max_units, 1, _GCHUNK), jnp.int32),
            pltpu.VMEM((max_units, _GCHUNK, d), jnp.float32),
            pltpu.VMEM((max_units, _GCHUNK, d), jnp.float32),
            pltpu.SemaphoreType.DMA,
            pltpu.SemaphoreType.DMA,
        ],
    )
    def sc_finish(deg_hbm, part_hbm, zproj_hbm, out_hbm,
                  tab_sh, idx_v, rows_v, part_v, sem_g, sem_p):
        c = lax.axis_index("c")
        s = lax.axis_index("s")
        wid = s * _NC + c
        base_u = wid * lo + jnp.minimum(wid, n_hi)

        @pl.when(s == 0)
        def _():
            pltpu.sync_copy(zproj_hbm, tab_sh)
        plsc.subcore_barrier()

        def span(start, cnt):
            pltpu.sync_copy(deg_hbm.at[pl.ds(start, cnt)],
                            idx_v.at[pl.ds(0, cnt)])
            pcopy = pltpu.async_copy(
                part_hbm.at[pl.ds(start, cnt)], part_v.at[pl.ds(0, cnt)],
                sem_p,
            )
            gcopies = [
                pltpu.async_copy(tab_sh.at[idx_v.at[j, 0]], rows_v.at[j],
                                 sem_g)
                for j in range(cnt)
            ]
            pcopy.wait()
            for g in gcopies:
                g.wait()
            for j in range(cnt):
                @plsc.parallel_loop(0, _GCHUNK, unroll=1)
                def _(i, j=j):
                    for t in range(d // _LANES):
                        sl = pl.ds(t * _LANES, _LANES)
                        rows_v[j, i, sl] = rows_v[j, i, sl] + part_v[j, i, sl]
            pltpu.sync_copy(rows_v.at[pl.ds(0, cnt)],
                            out_hbm.at[pl.ds(start, cnt)])

        if n_hi:
            @pl.when(wid < n_hi)
            def _():
                span(base_u, hi)
        if lo:
            if n_hi:
                @pl.when(wid >= n_hi)
                def _():
                    span(base_u, lo)
            else:
                span(base_u, lo)

    return sc_finish


def kernel(x, adj, z_degree, W, b):
    n, d = x.shape
    v = z_degree.shape[0]
    max_degree = v - 1
    b_row = b.reshape(1, d)
    rows_a, rows_b = _SPLIT
    nb_a = rows_a // _BR
    nb_b = rows_b // _BR
    base_b = rows_a // _BR

    deg3, part, zproj = pl.pallas_call(
        functools.partial(_k1_body, max_degree=max_degree),
        grid=(nb_a,),
        in_specs=[
            pl.BlockSpec((_BR, n), lambda i: (i, 0)),
            pl.BlockSpec((_BR, d), lambda i: (i, 0)),
            pl.BlockSpec((d, d), lambda i: (0, 0)),
            pl.BlockSpec((1, d), lambda i: (0, 0)),
            pl.BlockSpec((v, d), lambda i: (0, 0)),
            pl.BlockSpec((d, d), lambda i: (0, 1)),
        ],
        out_specs=[
            pl.BlockSpec((1, 1, _BR), lambda i: (i, 0, 0)),
            pl.BlockSpec((_BR, d), lambda i: (i, 0)),
            pl.BlockSpec((v, d), lambda i: (0, 0)),
        ],
        out_shape=[
            jax.ShapeDtypeStruct((nb_a, 1, _BR), jnp.int32),
            jax.ShapeDtypeStruct((rows_a, d), jnp.float32),
            jax.ShapeDtypeStruct((v, d), jnp.float32),
        ],
    )(adj, x, W, b_row, z_degree, W)

    units_a = rows_a // _GCHUNK
    out_sc = _make_sc_finisher(n, d, v, rows_a)(
        deg3.reshape(units_a, 1, _GCHUNK),
        part.reshape(units_a, _GCHUNK, d),
        zproj,
    )

    out_tail = pl.pallas_call(
        functools.partial(_k1_tail_body, max_degree=max_degree),
        grid=(nb_b,),
        in_specs=[
            pl.BlockSpec((_BR, n), lambda i: (base_b + i, 0)),
            pl.BlockSpec((_BR, d), lambda i: (base_b + i, 0)),
            pl.BlockSpec((d, d), lambda i: (0, 0)),
            pl.BlockSpec((1, d), lambda i: (0, 0)),
            pl.BlockSpec((v, d), lambda i: (0, 0)),
        ],
        out_specs=pl.BlockSpec((_BR, d), lambda i: (i, 0)),
        out_shape=jax.ShapeDtypeStruct((rows_b, d), jnp.float32),
    )(adj, x, W, b_row, zproj)

    out = out_sc.at[units_a:].set(
        out_tail.reshape(rows_b // _GCHUNK, _GCHUNK, d)
    )
    return out.reshape(n, d)

# --- scband reference (transcript-rebuilt; emitter-appended) ---
"""Pipeline reference for scband-centrality-encoding-24790551232803 (READ-ONLY COPY).

The authoritative reference and input builder live on the scoring server;
editing this copy changes nothing except your own understanding.
"""

import jax, jax.numpy as jnp
import numpy as np


def setup_inputs(seed: int = 0) -> dict:
    key = jax.random.key(seed)
    k1, k2, k3, k4, k5 = jax.random.split(key, 5)
    N = 8192
    D = 128
    MAX_DEGREE = 1047
    x = jax.random.normal(k1, (N, D), dtype=jnp.float32)
    adj = jax.random.randint(k2, (N, N), 0, 2, dtype=jnp.int32)
    # learned params per init_kwargs
    z_degree = jax.random.normal(k3, (MAX_DEGREE + 1, D), dtype=jnp.float32)
    W = jax.random.normal(k4, (D, 2 * D), dtype=jnp.float32) * (1.0 / np.sqrt(2 * D))
    b = jax.random.normal(k5, (D,), dtype=jnp.float32) * 0.01
    return {"x": x, "adj": adj, "z_degree": z_degree, "W": W, "b": b}


def reference(x, adj, z_degree, W, b):
    # binarize adjacency: adj[adj > 0] = 1
    adj_bin = (adj > 0).astype(jnp.int32)
    # degree = adj.sum(-1).long()
    degree = jnp.sum(adj_bin, axis=-1)
    # clamp to max_degree
    max_degree = z_degree.shape[0] - 1
    degree = jnp.minimum(degree, max_degree)
    # embedding lookup: z_degree[degree]
    degree_embedding = jnp.take(z_degree, degree, axis=0)
    # concat weighted features and project (torch Linear: y = cat @ W.T + b)
    cat = jnp.concatenate((0.7 * x, 0.3 * degree_embedding), axis=-1)
    out = cat @ W.T + b
    return out

if __name__ == "__main__":
    import jax
    _d = setup_inputs()
    print(jax.jit(kernel)(*tuple(_d.values())))

</pallas_src>

<mosaic_0001>
#map = affine_map<(d0, d1) -> (0, 0, 0)>
#map1 = affine_map<(d0, d1) -> (0, 0)>
module attributes {stable_mosaic.version = 14 : i64} {
  func.func @sc_finish(%arg0: i32, %arg1: i32, %arg2: memref<32x1x128xi32, #tpu.memory_space<hbm>>, %arg3: memref<32x128x128xf32, #tpu.memory_space<hbm>>, %arg4: memref<1048x128xf32, #tpu.memory_space<hbm>>, %arg5: memref<64x128x128xf32, #tpu.memory_space<hbm>>, %arg6: memref<1048x128xf32, #tpu.memory_space<vmem_shared>>, %arg7: memref<1x1x128xi32, #tpu.memory_space<vmem>>, %arg8: memref<1x128x128xf32, #tpu.memory_space<vmem>>, %arg9: memref<1x128x128xf32, #tpu.memory_space<vmem>>, %arg10: memref<!tpu.dma_semaphore, #tpu.memory_space<semaphore_mem>>, %arg11: memref<!tpu.dma_semaphore, #tpu.memory_space<semaphore_mem>>) attributes {dimension_semantics = [#tpu.dimension_semantics<core_parallel>, #tpu.dimension_semantics<subcore_parallel>], iteration_bounds = array<i64: 2, 16>, scalar_prefetch = 0 : i64, scratch_operands = 6 : i64, tpu.core_type = #tpu.core_type<sc_vector_subcore>, window_params = [{transform_indices = #map}, {transform_indices = #map}, {transform_indices = #map1}, {transform_indices = #map}]} {
    %mul3A = arith.constant 2 : i32
    %mul3A_0 = arith.muli %arg1, %mul3A : i32
    %add3A = arith.addi %mul3A_0, %arg0 : i32
    %mul3A_1 = arith.constant 1 : i32
    %mul3A_2 = arith.muli %add3A, %mul3A_1 : i32
    %min3A = arith.constant 0 : i32
    %min3A_3 = arith.minsi %add3A, %min3A : i32
    %add3A_4 = arith.addi %mul3A_2, %min3A_3 : i32
    %eq3A = arith.constant 0 : i32
    %eq3A_5 = arith.cmpi eq, %arg1, %eq3A : i32
    %convert_element_type3A = arith.extui %eq3A_5 : i1 to i32
    %cond3A = arith.constant 0 : i32
    %cond3A_6 = arith.cmpi ne, %convert_element_type3A, %cond3A : i32
    scf.if %cond3A_6 {
      "tpu.region"() ({
        %run_scoped3A = tpu.sem_alloc : memref<!tpu.dma_semaphore, #tpu.memory_space<semaphore_mem>>
        tpu.enqueue_dma source(%arg4 : memref<1048x128xf32, #tpu.memory_space<hbm>>) target(%arg6 : memref<1048x128xf32, #tpu.memory_space<vmem_shared>>) target_semaphore(%run_scoped3A : memref<!tpu.dma_semaphore, #tpu.memory_space<semaphore_mem>>)
        tpu.wait_dma2 semaphore(%run_scoped3A : memref<!tpu.dma_semaphore, #tpu.memory_space<semaphore_mem>>) src(%arg4 : memref<1048x128xf32, #tpu.memory_space<hbm>>) dst(%arg6 : memref<1048x128xf32, #tpu.memory_space<vmem_shared>>)
        tpu.yield
      }) : () -> ()
    } else {
    }
    %barrier3A = arith.constant 0 : index
    tpu.barrier barrier_id(%barrier3A)
    "tpu.region"() ({
      %run_scoped3A = tpu.sem_alloc : memref<!tpu.dma_semaphore, #tpu.memory_space<semaphore_mem>>
      %dma_start3A_61 = arith.constant 0 : i32
      %dma_start3A_62 = arith.constant 0 : i32
      %dma_start3A_63 = arith.constant 0 : i32
      %dma_start3A_64 = tpu.memref_slice %arg7[%dma_start3A_61, %dma_start3A_62, %dma_start3A_63] : memref<1x1x128xi32, #tpu.memory_space<vmem>> -> memref<1x1x128xi32, #tpu.memory_space<vmem>>
      %dma_start3A_65 = arith.constant 0 : i32
      %dma_start3A_66 = arith.constant 0 : i32
      %dma_start3A_67 = tpu.memref_slice %arg2[%add3A_4, %dma_start3A_65, %dma_start3A_66] : memref<32x1x128xi32, #tpu.memory_space<hbm>> -> memref<1x1x128xi32, #tpu.memory_space<hbm>>
      %dma_start3A_68 = arith.constant 0 : i32
      %dma_start3A_69 = arith.constant 0 : i32
      %dma_start3A_70 = arith.constant 0 : i32
      %dma_start3A_71 = tpu.memref_slice %arg7[%dma_start3A_68, %dma_start3A_69, %dma_start3A_70] : memref<1x1x128xi32, #tpu.memory_space<vmem>> -> memref<1x1x128xi32, #tpu.memory_space<vmem>>
      %dma_start3A_72 = arith.constant 0 : i32
      %dma_start3A_73 = arith.constant 0 : i32
      %dma_start3A_74 = tpu.memref_slice %arg2[%add3A_4, %dma_start3A_72, %dma_start3A_73] : memref<32x1x128xi32, #tpu.memory_space<hbm>> -> memref<1x1x128xi32, #tpu.memory_space<hbm>>
      tpu.enqueue_dma source(%dma_start3A_74 : memref<1x1x128xi32, #tpu.memory_space<hbm>>) target(%dma_start3A_71 : memref<1x1x128xi32, #tpu.memory_space<vmem>>) target_semaphore(%run_scoped3A : memref<!tpu.dma_semaphore, #tpu.memory_space<semaphore_mem>>)
      %dma_wait3A_75 = arith.constant 0 : i32
      %dma_wait3A_76 = arith.constant 0 : i32
      %dma_wait3A_77 = arith.constant 0 : i32
      %dma_wait3A_78 = tpu.memref_slice %arg7[%dma_wait3A_75, %dma_wait3A_76, %dma_wait3A_77] : memref<1x1x128xi32, #tpu.memory_space<vmem>> -> memref<1x1x128xi32, #tpu.memory_space<vmem>>
      %dma_wait3A_79 = arith.constant 0 : i32
      %dma_wait3A_80 = arith.constant 0 : i32
      %dma_wait3A_81 = tpu.memref_slice %arg2[%add3A_4, %dma_wait3A_79, %dma_wait3A_80] : memref<32x1x128xi32, #tpu.memory_space<hbm>> -> memref<1x1x128xi32, #tpu.memory_space<hbm>>
      %dma_wait3A_82 = arith.constant 0 : i32
      %dma_wait3A_83 = arith.constant 0 : i32
      %dma_wait3A_84 = arith.constant 0 : i32
      %dma_wait3A_85 = tpu.memref_slice %arg7[%dma_wait3A_82, %dma_wait3A_83, %dma_wait3A_84] : memref<1x1x128xi32, #tpu.memory_space<vmem>> -> memref<1x1x128xi32, #tpu.memory_space<vmem>>
      %dma_wait3A_86 = arith.constant 0 : i32
      %dma_wait3A_87 = arith.constant 0 : i32
      %dma_wait3A_88 = tpu.memref_slice %arg2[%add3A_4, %dma_wait3A_86, %dma_wait3A_87] : memref<32x1x128xi32, #tpu.memory_space<hbm>> -> memref<1x1x128xi32, #tpu.memory_space<hbm>>
      tpu.wait_dma2 semaphore(%run_scoped3A : memref<!tpu.dma_semaphore, #tpu.memory_space<semaphore_mem>>) src(%dma_wait3A_88 : memref<1x1x128xi32, #tpu.memory_space<hbm>>) dst(%dma_wait3A_85 : memref<1x1x128xi32, #tpu.memory_space<vmem>>)
      tpu.yield
    }) : () -> ()
    %dma_start3A = arith.constant 0 : i32
    %dma_start3A_7 = arith.constant 0 : i32
    %dma_start3A_8 = arith.constant 0 : i32
    %dma_start3A_9 = tpu.memref_slice %arg9[%dma_start3A, %dma_start3A_7, %dma_start3A_8] : memref<1x128x128xf32, #tpu.memory_space<vmem>> -> memref<1x128x128xf32, #tpu.memory_space<vmem>>
    %dma_start3A_10 = arith.constant 0 : i32
    %dma_start3A_11 = arith.constant 0 : i32
    %dma_start3A_12 = tpu.memref_slice %arg3[%add3A_4, %dma_start3A_10, %dma_start3A_11] : memref<32x128x128xf32, #tpu.memory_space<hbm>> -> memref<1x128x128xf32, #tpu.memory_space<hbm>>
    %dma_start3A_13 = arith.constant 0 : i32
    %dma_start3A_14 = arith.constant 0 : i32
    %dma_start3A_15 = arith.constant 0 : i32
    %dma_start3A_16 = tpu.memref_slice %arg9[%dma_start3A_13, %dma_start3A_14, %dma_start3A_15] : memref<1x128x128xf32, #tpu.memory_space<vmem>> -> memref<1x128x128xf32, #tpu.memory_space<vmem>>
    %dma_start3A_17 = arith.constant 0 : i32
    %dma_start3A_18 = arith.constant 0 : i32
    %dma_start3A_19 = tpu.memref_slice %arg3[%add3A_4, %dma_start3A_17, %dma_start3A_18] : memref<32x128x128xf32, #tpu.memory_space<hbm>> -> memref<1x128x128xf32, #tpu.memory_space<hbm>>
    tpu.enqueue_dma source(%dma_start3A_19 : memref<1x128x128xf32, #tpu.memory_space<hbm>>) target(%dma_start3A_16 : memref<1x128x128xf32, #tpu.memory_space<vmem>>) target_semaphore(%arg11 : memref<!tpu.dma_semaphore, #tpu.memory_space<semaphore_mem>>)
    %dma_start3A_20 = arith.constant 0 : i32
    %dma_start3A_21 = arith.constant 0 : i32
    %dma_start3A_22 = arith.constant 0 : i32
    %dma_start3A_23 = arith.constant 0 : i32
    %dma_start3A_24 = arith.constant 0 : i32
    %dma_start3A_25 = tpu.memref_slice %arg8[%dma_start3A_22, %dma_start3A_23, %dma_start3A_24] : memref<1x128x128xf32, #tpu.memory_space<vmem>> -> memref<1x128x128xf32, #tpu.memory_space<vmem>>
    %dma_start3A_26 = tpu.memref_squeeze %dma_start3A_25 : memref<1x128x128xf32, #tpu.memory_space<vmem>> -> memref<128x128xf32, #tpu.memory_space<vmem>>
    %dma_start3A_27 = arith.constant 0 : i32
    %dma_start3A_28 = tpu.memref_slice %arg7[%dma_start3A_20, %dma_start3A_21, %dma_start3A_27] : memref<1x1x128xi32, #tpu.memory_space<vmem>> -> memref<1x1x128xi32, #tpu.memory_space<vmem>>
    %dma_start3A_29 = tpu.memref_squeeze %dma_start3A_28 : memref<1x1x128xi32, #tpu.memory_space<vmem>> -> memref<128xi32, #tpu.memory_space<vmem>>
    %dma_start3A_30 = arith.constant 0 : i32
    %dma_start3A_31 = arith.constant 0 : i32
    %dma_start3A_32 = tpu.memref_slice %arg6[%dma_start3A_30, %dma_start3A_31] : memref<1048x128xf32, #tpu.memory_space<vmem_shared>> -> memref<1048x128xf32, #tpu.memory_space<vmem_shared>>
    tpu.enqueue_indirect_dma source(%dma_start3A_32 : memref<1048x128xf32, #tpu.memory_space<vmem_shared>>) target(%dma_start3A_26 : memref<128x128xf32, #tpu.memory_space<vmem>>) offsets(%dma_start3A_29 : memref<128xi32, #tpu.memory_space<vmem>>) semaphore(%arg10 : memref<!tpu.dma_semaphore, #tpu.memory_space<semaphore_mem>>)
    %dma_wait3A = arith.constant 0 : i32
    %dma_wait3A_33 = arith.constant 0 : i32
    %dma_wait3A_34 = arith.constant 0 : i32
    %dma_wait3A_35 = tpu.memref_slice %arg9[%dma_wait3A, %dma_wait3A_33, %dma_wait3A_34] : memref<1x128x128xf32, #tpu.memory_space<vmem>> -> memref<1x128x128xf32, #tpu.memory_space<vmem>>
    %dma_wait3A_36 = arith.constant 0 : i32
    %dma_wait3A_37 = arith.constant 0 : i32
    %dma_wait3A_38 = tpu.memref_slice %arg3[%add3A_4, %dma_wait3A_36, %dma_wait3A_37] : memref<32x128x128xf32, #tpu.memory_space<hbm>> -> memref<1x128x128xf32, #tpu.memory_space<hbm>>
    %dma_wait3A_39 = arith.constant 0 : i32
    %dma_wait3A_40 = arith.constant 0 : i32
    %dma_wait3A_41 = arith.constant 0 : i32
    %dma_wait3A_42 = tpu.memref_slice %arg9[%dma_wait3A_39, %dma_wait3A_40, %dma_wait3A_41] : memref<1x128x128xf32, #tpu.memory_space<vmem>> -> memref<1x128x128xf32, #tpu.memory_space<vmem>>
    %dma_wait3A_43 = arith.constant 0 : i32
    %dma_wait3A_44 = arith.constant 0 : i32
    %dma_wait3A_45 = tpu.memref_slice %arg3[%add3A_4, %dma_wait3A_43, %dma_wait3A_44] : memref<32x128x128xf32, #tpu.memory_space<hbm>> -> memref<1x128x128xf32, #tpu.memory_space<hbm>>
    tpu.wait_dma2 semaphore(%arg11 : memref<!tpu.dma_semaphore, #tpu.memory_space<semaphore_mem>>) src(%dma_wait3A_45 : memref<1x128x128xf32, #tpu.memory_space<hbm>>) dst(%dma_wait3A_42 : memref<1x128x128xf32, #tpu.memory_space<vmem>>)
    %dma_wait3A_46 = arith.constant 0 : i32
    %dma_wait3A_47 = arith.constant 0 : i32
    %dma_wait3A_48 = arith.constant 0 : i32
    %dma_wait3A_49 = arith.constant 0 : i32
    %dma_wait3A_50 = arith.constant 0 : i32
    %dma_wait3A_51 = tpu.memref_slice %arg8[%dma_wait3A_48, %dma_wait3A_49, %dma_wait3A_50] : memref<1x128x128xf32, #tpu.memory_space<vmem>> -> memref<1x128x128xf32, #tpu.memory_space<vmem>>
    %dma_wait3A_52 = tpu.memref_squeeze %dma_wait3A_51 : memref<1x128x128xf32, #tpu.memory_space<vmem>> -> memref<128x128xf32, #tpu.memory_space<vmem>>
    %dma_wait3A_53 = arith.constant 0 : i32
    %dma_wait3A_54 = tpu.memref_slice %arg7[%dma_wait3A_46, %dma_wait3A_47, %dma_wait3A_53] : memref<1x1x128xi32, #tpu.memory_space<vmem>> -> memref<1x1x128xi32, #tpu.memory_space<vmem>>
    %dma_wait3A_55 = tpu.memref_squeeze %dma_wait3A_54 : memref<1x1x128xi32, #tpu.memory_space<vmem>> -> memref<128xi32, #tpu.memory_space<vmem>>
    %dma_wait3A_56 = arith.constant 0 : i32
    %dma_wait3A_57 = arith.constant 0 : i32
    %dma_wait3A_58 = tpu.memref_slice %arg6[%dma_wait3A_56, %dma_wait3A_57] : memref<1048x128xf32, #tpu.memory_space<vmem_shared>> -> memref<1048x128xf32, #tpu.memory_space<vmem_shared>>
    tpu.wait_indirect_dma semaphore(%arg10 : memref<!tpu.dma_semaphore, #tpu.memory_space<semaphore_mem>>) src(%dma_wait3A_58 : memref<1048x128xf32, #tpu.memory_space<vmem_shared>>) dst(%dma_wait3A_52 : memref<128x128xf32, #tpu.memory_space<vmem>>)
    %parallel_loop3A = arith.constant 0 : i32
    %parallel_loop3A_59 = arith.constant 128 : i32
    %parallel_loop3A_60 = arith.constant 1 : i32
    scf.for %parallel_loop3A_61 = %parallel_loop3A to %parallel_loop3A_59 step %parallel_loop3A_60  : i32 {
      %parallel_loop3A_62 = arith.constant 0 : i32
      %parallel_loop3A_63 = arith.index_cast %parallel_loop3A_62 : i32 to index
      %parallel_loop3A_64 = arith.index_cast %parallel_loop3A_61 : i32 to index
      %parallel_loop3A_65 = arith.constant 0 : index
      %parallel_loop3A_66 = tpu.vector_load %arg8[%parallel_loop3A_63, %parallel_loop3A_64, %parallel_loop3A_65] {strides = array<i32>} : memref<1x128x128xf32, #tpu.memory_space<vmem>>, vector<1x1x16xf32>,
      %parallel_loop3A_67 = vector.shape_cast %parallel_loop3A_66 : vector<1x1x16xf32> to vector<16xf32>
      %parallel_loop3A_68 = arith.constant 0 : i32
      %parallel_loop3A_69 = arith.index_cast %parallel_loop3A_68 : i32 to index
      %parallel_loop3A_70 = arith.index_cast %parallel_loop3A_61 : i32 to index
      %parallel_loop3A_71 = arith.constant 0 : index
      %parallel_loop3A_72 = tpu.vector_load %arg9[%parallel_loop3A_69, %parallel_loop3A_70, %parallel_loop3A_71] {strides = array<i32>} : memref<1x128x128xf32, #tpu.memory_space<vmem>>, vector<1x1x16xf32>,
      %parallel_loop3A_73 = vector.shape_cast %parallel_loop3A_72 : vector<1x1x16xf32> to vector<16xf32>
      %parallel_loop3A_74 = arith.addf %parallel_loop3A_67, %parallel_loop3A_73 : vector<16xf32>
      %parallel_loop3A_75 = arith.constant 0 : i32
      %parallel_loop3A_76 = arith.index_cast %parallel_loop3A_75 : i32 to index
      %parallel_loop3A_77 = arith.index_cast %parallel_loop3A_61 : i32 to index
      %parallel_loop3A_78 = arith.constant 0 : index
      %parallel_loop3A_79 = tpu.vector_load %arg8[%parallel_loop3A_76, %parallel_loop3A_77, %parallel_loop3A_78] {strides = array<i32>} : memref<1x128x128xf32, #tpu.memory_space<vmem>>, vector<1x1x16xf32>,
      %parallel_loop3A_80 = vector.shape_cast %parallel_loop3A_79 : vector<1x1x16xf32> to vector<16xf32>
      %parallel_loop3A_81 = vector.shape_cast %parallel_loop3A_74 : vector<16xf32> to vector<1x1x16xf32>
      tpu.vector_store %arg8[%parallel_loop3A_76, %parallel_loop3A_77, %parallel_loop3A_78], %parallel_loop3A_81 {strides = array<i32>} : memref<1x128x128xf32, #tpu.memory_space<vmem>>, vector<1x1x16xf32>,
      %parallel_loop3A_82 = arith.constant 0 : i32
      %parallel_loop3A_83 = arith.index_cast %parallel_loop3A_82 : i32 to index
      %parallel_loop3A_84 = arith.index_cast %parallel_loop3A_61 : i32 to index
      %parallel_loop3A_85 = arith.constant 16 : index
      %parallel_loop3A_86 = tpu.vector_load %arg8[%parallel_loop3A_83, %parallel_loop3A_84, %parallel_loop3A_85] {strides = array<i32>} : memref<1x128x128xf32, #tpu.memory_space<vmem>>, vector<1x1x16xf32>,
      %parallel_loop3A_87 = vector.shape_cast %parallel_loop3A_86 : vector<1x1x16xf32> to vector<16xf32>
      %parallel_loop3A_88 = arith.constant 0 : i32
      %parallel_loop3A_89 = arith.index_cast %parallel_loop3A_88 : i32 to index
      %parallel_loop3A_90 = arith.index_cast %parallel_loop3A_61 : i32 to index
      %parallel_loop3A_91 = arith.constant 16 : index
      %parallel_loop3A_92 = tpu.vector_load %arg9[%parallel_loop3A_89, %parallel_loop3A_90, %parallel_loop3A_91] {strides = array<i32>} : memref<1x128x128xf32, #tpu.memory_space<vmem>>, vector<1x1x16xf32>,
      %parallel_loop3A_93 = vector.shape_cast %parallel_loop3A_92 : vector<1x1x16xf32> to vector<16xf32>
      %parallel_loop3A_94 = arith.addf %parallel_loop3A_87, %parallel_loop3A_93 : vector<16xf32>
      %parallel_loop3A_95 = arith.constant 0 : i32
      %parallel_loop3A_96 = arith.index_cast %parallel_loop3A_95 : i32 to index
      %parallel_loop3A_97 = arith.index_cast %parallel_loop3A_61 : i32 to index
      %parallel_loop3A_98 = arith.constant 16 : index
      %parallel_loop3A_99 = tpu.vector_load %arg8[%parallel_loop3A_96, %parallel_loop3A_97, %parallel_loop3A_98] {strides = array<i32>} : memref<1x128x128xf32, #tpu.memory_space<vmem>>, vector<1x1x16xf32>,
      %parallel_loop3A_100 = vector.shape_cast %parallel_loop3A_99 : vector<1x1x16xf32> to vector<16xf32>
      %parallel_loop3A_101 = vector.shape_cast %parallel_loop3A_94 : vector<16xf32> to vector<1x1x16xf32>
      tpu.vector_store %arg8[%parallel_loop3A_96, %parallel_loop3A_97, %parallel_loop3A_98], %parallel_loop3A_101 {strides = array<i32>} : memref<1x128x128xf32, #tpu.memory_space<vmem>>, vector<1x1x16xf32>,
      %parallel_loop3A_102 = arith.constant 0 : i32
      %parallel_loop3A_103 = arith.index_cast %parallel_loop3A_102 : i32 to index
      %parallel_loop3A_104 = arith.index_cast %parallel_loop3A_61 : i32 to index
      %parallel_loop3A_105 = arith.constant 32 : index
      %parallel_loop3A_106 = tpu.vector_load %arg8[%parallel_loop3A_103, %parallel_loop3A_104, %parallel_loop3A_105] {strides = array<i32>} : memref<1x128x128xf32, #tpu.memory_space<vmem>>, vector<1x1x16xf32>,
      %parallel_loop3A_107 = vector.shape_cast %parallel_loop3A_106 : vector<1x1x16xf32> to vector<16xf32>
      %parallel_loop3A_108 = arith.constant 0 : i32
      %parallel_loop3A_109 = arith.index_cast %parallel_loop3A_108 : i32 to index
      %parallel_loop3A_110 = arith.index_cast %parallel_loop3A_61 : i32 to index
      %parallel_loop3A_111 = arith.constant 32 : index
      %parallel_loop3A_112 = tpu.vector_load %arg9[%parallel_loop3A_109, %parallel_loop3A_110, %parallel_loop3A_111] {strides = array<i32>} : memref<1x128x128xf32, #tpu.memory_space<vmem>>, vector<1x1x16xf32>,
      %parallel_loop3A_113 = vector.shape_cast %parallel_loop3A_112 : vector<1x1x16xf32> to vector<16xf32>
      %parallel_loop3A_114 = arith.addf %parallel_loop3A_107, %parallel_loop3A_113 : vector<16xf32>
      %parallel_loop3A_115 = arith.constant 0 : i32
      %parallel_loop3A_116 = arith.index_cast %parallel_loop3A_115 : i32 to index
      %parallel_loop3A_117 = arith.index_cast %parallel_loop3A_61 : i32 to index
      %parallel_loop3A_118 = arith.constant 32 : index
      %parallel_loop3A_119 = tpu.vector_load %arg8[%parallel_loop3A_116, %parallel_loop3A_117, %parallel_loop3A_118] {strides = array<i32>} : memref<1x128x128xf32, #tpu.memory_space<vmem>>, vector<1x1x16xf32>,
      %parallel_loop3A_120 = vector.shape_cast %parallel_loop3A_119 : vector<1x1x16xf32> to vector<16xf32>
      %parallel_loop3A_121 = vector.shape_cast %parallel_loop3A_114 : vector<16xf32> to vector<1x1x16xf32>
      tpu.vector_store %arg8[%parallel_loop3A_116, %parallel_loop3A_117, %parallel_loop3A_118], %parallel_loop3A_121 {strides = array<i32>} : memref<1x128x128xf32, #tpu.memory_space<vmem>>, vector<1x1x16xf32>,
      %parallel_loop3A_122 = arith.constant 0 : i32
      %parallel_loop3A_123 = arith.index_cast %parallel_loop3A_122 : i32 to index
      %parallel_loop3A_124 = arith.index_cast %parallel_loop3A_61 : i32 to index
      %parallel_loop3A_125 = arith.constant 48 : index
      %parallel_loop3A_126 = tpu.vector_load %arg8[%parallel_loop3A_123, %parallel_loop3A_124, %parallel_loop3A_125] {strides = array<i32>} : memref<1x128x128xf32, #tpu.memory_space<vmem>>, vector<1x1x16xf32>,
      %parallel_loop3A_127 = vector.shape_cast %parallel_loop3A_126 : vector<1x1x16xf32> to vector<16xf32>
      %parallel_loop3A_128 = arith.constant 0 : i32
      %parallel_loop3A_129 = arith.index_cast %parallel_loop3A_128 : i32 to index
      %parallel_loop3A_130 = arith.index_cast %parallel_loop3A_61 : i32 to index
      %parallel_loop3A_131 = arith.constant 48 : index
      %parallel_loop3A_132 = tpu.vector_load %arg9[%parallel_loop3A_129, %parallel_loop3A_130, %parallel_loop3A_131] {strides = array<i32>} : memref<1x128x128xf32, #tpu.memory_space<vmem>>, vector<1x1x16xf32>,
      %parallel_loop3A_133 = vector.shape_cast %parallel_loop3A_132 : vector<1x1x16xf32> to vector<16xf32>
      %parallel_loop3A_134 = arith.addf %parallel_loop3A_127, %parallel_loop3A_133 : vector<16xf32>
      %parallel_loop3A_135 = arith.constant 0 : i32
      %parallel_loop3A_136 = arith.index_cast %parallel_loop3A_135 : i32 to index
      %parallel_loop3A_137 = arith.index_cast %parallel_loop3A_61 : i32 to index
      %parallel_loop3A_138 = arith.constant 48 : index
      %parallel_loop3A_139 = tpu.vector_load %arg8[%parallel_loop3A_136, %parallel_loop3A_137, %parallel_loop3A_138] {strides = array<i32>} : memref<1x128x128xf32, #tpu.memory_space<vmem>>, vector<1x1x16xf32>,
      %parallel_loop3A_140 = vector.shape_cast %parallel_loop3A_139 : vector<1x1x16xf32> to vector<16xf32>
      %parallel_loop3A_141 = vector.shape_cast %parallel_loop3A_134 : vector<16xf32> to vector<1x1x16xf32>
      tpu.vector_store %arg8[%parallel_loop3A_136, %parallel_loop3A_137, %parallel_loop3A_138], %parallel_loop3A_141 {strides = array<i32>} : memref<1x128x128xf32, #tpu.memory_space<vmem>>, vector<1x1x16xf32>,
      %parallel_loop3A_142 = arith.constant 0 : i32
      %parallel_loop3A_143 = arith.index_cast %parallel_loop3A_142 : i32 to index
      %parallel_loop3A_144 = arith.index_cast %parallel_loop3A_61 : i32 to index
      %parallel_loop3A_145 = arith.constant 64 : index
      %parallel_loop3A_146 = tpu.vector_load %arg8[%parallel_loop3A_143, %parallel_loop3A_144, %parallel_loop3A_145] {strides = array<i32>} : memref<1x128x128xf32, #tpu.memory_space<vmem>>, vector<1x1x16xf32>,
      %parallel_loop3A_147 = vector.shape_cast %parallel_loop3A_146 : vector<1x1x16xf32> to vector<16xf32>
      %parallel_loop3A_148 = arith.constant 0 : i32
      %parallel_loop3A_149 = arith.index_cast %parallel_loop3A_148 : i32 to index
      %parallel_loop3A_150 = arith.index_cast %parallel_loop3A_61 : i32 to index
      %parallel_loop3A_151 = arith.constant 64 : index
      %parallel_loop3A_152 = tpu.vector_load %arg9[%parallel_loop3A_149, %parallel_loop3A_150, %parallel_loop3A_151] {strides = array<i32>} : memref<1x128x128xf32, #tpu.memory_space<vmem>>, vector<1x1x16xf32>,
      %parallel_loop3A_153 = vector.shape_cast %parallel_loop3A_152 : vector<1x1x16xf32> to vector<16xf32>
      %parallel_loop3A_154 = arith.addf %parallel_loop3A_147, %parallel_loop3A_153 : vector<16xf32>
      %parallel_loop3A_155 = arith.constant 0 : i32
      %parallel_loop3A_156 = arith.index_cast %parallel_loop3A_155 : i32 to index
      %parallel_loop3A_157 = arith.index_cast %parallel_loop3A_61 : i32 to index
      %parallel_loop3A_158 = arith.constant 64 : index
      %parallel_loop3A_159 = tpu.vector_load %arg8[%parallel_loop3A_156, %parallel_loop3A_157, %parallel_loop3A_158] {strides = array<i32>} : memref<1x128x128xf32, #tpu.memory_space<vmem>>, vector<1x1x16xf32>,
      %parallel_loop3A_160 = vector.shape_cast %parallel_loop3A_159 : vector<1x1x16xf32> to vector<16xf32>
      %parallel_loop3A_161 = vector.shape_cast %parallel_loop3A_154 : vector<16xf32> to vector<1x1x16xf32>
      tpu.vector_store %arg8[%parallel_loop3A_156, %parallel_loop3A_157, %parallel_loop3A_158], %parallel_loop3A_161 {strides = array<i32>} : memref<1x128x128xf32, #tpu.memory_space<vmem>>, vector<1x1x16xf32>,
      %parallel_loop3A_162 = arith.constant 0 : i32
      %parallel_loop3A_163 = arith.index_cast %parallel_loop3A_162 : i32 to index
      %parallel_loop3A_164 = arith.index_cast %parallel_loop3A_61 : i32 to index
      %parallel_loop3A_165 = arith.constant 80 : index
      %parallel_loop3A_166 = tpu.vector_load %arg8[%parallel_loop3A_163, %parallel_loop3A_164, %parallel_loop3A_165] {strides = array<i32>} : memref<1x128x128xf32, #tpu.memory_space<vmem>>, vector<1x1x16xf32>,
      %parallel_loop3A_167 = vector.shape_cast %parallel_loop3A_166 : vector<1x1x16xf32> to vector<16xf32>
      %parallel_loop3A_168 = arith.constant 0 : i32
      %parallel_loop3A_169 = arith.index_cast %parallel_loop3A_168 : i32 to index
      %parallel_loop3A_170 = arith.index_cast %parallel_loop3A_61 : i32 to index
      %parallel_loop3A_171 = arith.constant 80 : index
      %parallel_loop3A_172 = tpu.vector_load %arg9[%parallel_loop3A_169, %parallel_loop3A_170, %parallel_loop3A_171] {strides = array<i32>} : memref<1x128x128xf32, #tpu.memory_space<vmem>>, vector<1x1x16xf32>,
      %parallel_loop3A_173 = vector.shape_cast %parallel_loop3A_172 : vector<1x1x16xf32> to vector<16xf32>
      %parallel_loop3A_174 = arith.addf %parallel_loop3A_167, %parallel_loop3A_173 : vector<16xf32>
      %parallel_loop3A_175 = arith.constant 0 : i32
      %parallel_loop3A_176 = arith.index_cast %parallel_loop3A_175 : i32 to index
      %parallel_loop3A_177 = arith.index_cast %parallel_loop3A_61 : i32 to index
      %parallel_loop3A_178 = arith.constant 80 : index
      %parallel_loop3A_179 = tpu.vector_load %arg8[%parallel_loop3A_176, %parallel_loop3A_177, %parallel_loop3A_178] {strides = array<i32>} : memref<1x128x128xf32, #tpu.memory_space<vmem>>, vector<1x1x16xf32>,
      %parallel_loop3A_180 = vector.shape_cast %parallel_loop3A_179 : vector<1x1x16xf32> to vector<16xf32>
      %parallel_loop3A_181 = vector.shape_cast %parallel_loop3A_174 : vector<16xf32> to vector<1x1x16xf32>
      tpu.vector_store %arg8[%parallel_loop3A_176, %parallel_loop3A_177, %parallel_loop3A_178], %parallel_loop3A_181 {strides = array<i32>} : memref<1x128x128xf32, #tpu.memory_space<vmem>>, vector<1x1x16xf32>,
      %parallel_loop3A_182 = arith.constant 0 : i32
      %parallel_loop3A_183 = arith.index_cast %parallel_loop3A_182 : i32 to index
      %parallel_loop3A_184 = arith.index_cast %parallel_loop3A_61 : i32 to index
      %parallel_loop3A_185 = arith.constant 96 : index
      %parallel_loop3A_186 = tpu.vector_load %arg8[%parallel_loop3A_183, %parallel_loop3A_184, %parallel_loop3A_185] {strides = array<i32>} : memref<1x128x128xf32, #tpu.memory_space<vmem>>, vector<1x1x16xf32>,
      %parallel_loop3A_187 = vector.shape_cast %parallel_loop3A_186 : vector<1x1x16xf32> to vector<16xf32>
      %parallel_loop3A_188 = arith.constant 0 : i32
      %parallel_loop3A_189 = arith.index_cast %parallel_loop3A_188 : i32 to index
      %parallel_loop3A_190 = arith.index_cast %parallel_loop3A_61 : i32 to index
      %parallel_loop3A_191 = arith.constant 96 : index
      %parallel_loop3A_192 = tpu.vector_load %arg9[%parallel_loop3A_189, %parallel_loop3A_190, %parallel_loop3A_191] {strides = array<i32>} : memref<1x128x128xf32, #tpu.memory_space<vmem>>, vector<1x1x16xf32>,
      %parallel_loop3A_193 = vector.shape_cast %parallel_loop3A_192 : vector<1x1x16xf32> to vector<16xf32>
      %parallel_loop3A_194 = arith.addf %parallel_loop3A_187, %parallel_loop3A_193 : vector<16xf32>
      %parallel_loop3A_195 = arith.constant 0 : i32
      %parallel_loop3A_196 = arith.index_cast %parallel_loop3A_195 : i32 to index
      %parallel_loop3A_197 = arith.index_cast %parallel_loop3A_61 : i32 to index
      %parallel_loop3A_198 = arith.constant 96 : index
      %parallel_loop3A_199 = tpu.vector_load %arg8[%parallel_loop3A_196, %parallel_loop3A_197, %parallel_loop3A_198] {strides = array<i32>} : memref<1x128x128xf32, #tpu.memory_space<vmem>>, vector<1x1x16xf32>,
      %parallel_loop3A_200 = vector.shape_cast %parallel_loop3A_199 : vector<1x1x16xf32> to vector<16xf32>
      %parallel_loop3A_201 = vector.shape_cast %parallel_loop3A_194 : vector<16xf32> to vector<1x1x16xf32>
      tpu.vector_store %arg8[%parallel_loop3A_196, %parallel_loop3A_197, %parallel_loop3A_198], %parallel_loop3A_201 {strides = array<i32>} : memref<1x128x128xf32, #tpu.memory_space<vmem>>, vector<1x1x16xf32>,
      %parallel_loop3A_202 = arith.constant 0 : i32
      %parallel_loop3A_203 = arith.index_cast %parallel_loop3A_202 : i32 to index
      %parallel_loop3A_204 = arith.index_cast %parallel_loop3A_61 : i32 to index
      %parallel_loop3A_205 = arith.constant 112 : index
      %parallel_loop3A_206 = tpu.vector_load %arg8[%parallel_loop3A_203, %parallel_loop3A_204, %parallel_loop3A_205] {strides = array<i32>} : memref<1x128x128xf32, #tpu.memory_space<vmem>>, vector<1x1x16xf32>,
      %parallel_loop3A_207 = vector.shape_cast %parallel_loop3A_206 : vector<1x1x16xf32> to vector<16xf32>
      %parallel_loop3A_208 = arith.constant 0 : i32
      %parallel_loop3A_209 = arith.index_cast %parallel_loop3A_208 : i32 to index
      %parallel_loop3A_210 = arith.index_cast %parallel_loop3A_61 : i32 to index
      %parallel_loop3A_211 = arith.constant 112 : index
      %parallel_loop3A_212 = tpu.vector_load %arg9[%parallel_loop3A_209, %parallel_loop3A_210, %parallel_loop3A_211] {strides = array<i32>} : memref<1x128x128xf32, #tpu.memory_space<vmem>>, vector<1x1x16xf32>,
      %parallel_loop3A_213 = vector.shape_cast %parallel_loop3A_212 : vector<1x1x16xf32> to vector<16xf32>
      %parallel_loop3A_214 = arith.addf %parallel_loop3A_207, %parallel_loop3A_213 : vector<16xf32>
      %parallel_loop3A_215 = arith.constant 0 : i32
      %parallel_loop3A_216 = arith.index_cast %parallel_loop3A_215 : i32 to index
      %parallel_loop3A_217 = arith.index_cast %parallel_loop3A_61 : i32 to index
      %parallel_loop3A_218 = arith.constant 112 : index
      %parallel_loop3A_219 = tpu.vector_load %arg8[%parallel_loop3A_216, %parallel_loop3A_217, %parallel_loop3A_218] {strides = array<i32>} : memref<1x128x128xf32, #tpu.memory_space<vmem>>, vector<1x1x16xf32>,
      %parallel_loop3A_220 = vector.shape_cast %parallel_loop3A_219 : vector<1x1x16xf32> to vector<16xf32>
      %parallel_loop3A_221 = vector.shape_cast %parallel_loop3A_214 : vector<16xf32> to vector<1x1x16xf32>
      tpu.vector_store %arg8[%parallel_loop3A_216, %parallel_loop3A_217, %parallel_loop3A_218], %parallel_loop3A_221 {strides = array<i32>} : memref<1x128x128xf32, #tpu.memory_space<vmem>>, vector<1x1x16xf32>,
    } {sc.loop_unroll_factor = 1 : i64, sc.parallel_access}
    "tpu.region"() ({
      %run_scoped3A = tpu.sem_alloc : memref<!tpu.dma_semaphore, #tpu.memory_space<semaphore_mem>>
      %dma_start3A_61 = arith.constant 0 : i32
      %dma_start3A_62 = arith.constant 0 : i32
      %dma_start3A_63 = arith.constant 0 : i32
      %dma_start3A_64 = tpu.memref_slice %arg8[%dma_start3A_61, %dma_start3A_62, %dma_start3A_63] : memref<1x128x128xf32, #tpu.memory_space<vmem>> -> memref<1x128x128xf32, #tpu.memory_space<vmem>>
      %dma_start3A_65 = arith.constant 0 : i32
      %dma_start3A_66 = arith.constant 0 : i32
      %dma_start3A_67 = tpu.memref_slice %arg5[%add3A_4, %dma_start3A_65, %dma_start3A_66] : memref<64x128x128xf32, #tpu.memory_space<hbm>> -> memref<1x128x128xf32, #tpu.memory_space<hbm>>
      %dma_start3A_68 = arith.constant 0 : i32
      %dma_start3A_69 = arith.constant 0 : i32
      %dma_start3A_70 = tpu.memref_slice %arg5[%add3A_4, %dma_start3A_68, %dma_start3A_69] : memref<64x128x128xf32, #tpu.memory_space<hbm>> -> memref<1x128x128xf32, #tpu.memory_space<hbm>>
      %dma_start3A_71 = arith.constant 0 : i32
      %dma_start3A_72 = arith.constant 0 : i32
      %dma_start3A_73 = arith.constant 0 : i32
      %dma_start3A_74 = tpu.memref_slice %arg8[%dma_start3A_71, %dma_start3A_72, %dma_start3A_73] : memref<1x128x128xf32, #tpu.memory_space<vmem>> -> memref<1x128x128xf32, #tpu.memory_space<vmem>>
      tpu.enqueue_dma source(%dma_start3A_74 : memref<1x128x128xf32, #tpu.memory_space<vmem>>) target(%dma_start3A_70 : memref<1x128x128xf32, #tpu.memory_space<hbm>>) target_semaphore(%run_scoped3A : memref<!tpu.dma_semaphore, #tpu.memory_space<semaphore_mem>>)
      %dma_wait3A_75 = arith.constant 0 : i32
      %dma_wait3A_76 = arith.constant 0 : i32
      %dma_wait3A_77 = arith.constant 0 : i32
      %dma_wait3A_78 = tpu.memref_slice %arg8[%dma_wait3A_75, %dma_wait3A_76, %dma_wait3A_77] : memref<1x128x128xf32, #tpu.memory_space<vmem>> -> memref<1x128x128xf32, #tpu.memory_space<vmem>>
      %dma_wait3A_79 = arith.constant 0 : i32
      %dma_wait3A_80 = arith.constant 0 : i32
      %dma_wait3A_81 = tpu.memref_slice %arg5[%add3A_4, %dma_wait3A_79, %dma_wait3A_80] : memref<64x128x128xf32, #tpu.memory_space<hbm>> -> memref<1x128x128xf32, #tpu.memory_space<hbm>>
      %dma_wait3A_82 = arith.constant 0 : i32
      %dma_wait3A_83 = arith.constant 0 : i32
      %dma_wait3A_84 = tpu.memref_slice %arg5[%add3A_4, %dma_wait3A_82, %dma_wait3A_83] : memref<64x128x128xf32, #tpu.memory_space<hbm>> -> memref<1x128x128xf32, #tpu.memory_space<hbm>>
      %dma_wait3A_85 = arith.constant 0 : i32
      %dma_wait3A_86 = arith.constant 0 : i32
      %dma_wait3A_87 = arith.constant 0 : i32
      %dma_wait3A_88 = tpu.memref_slice %arg8[%dma_wait3A_85, %dma_wait3A_86, %dma_wait3A_87] : memref<1x128x128xf32, #tpu.memory_space<vmem>> -> memref<1x128x128xf32, #tpu.memory_space<vmem>>
      tpu.wait_dma2 semaphore(%run_scoped3A : memref<!tpu.dma_semaphore, #tpu.memory_space<semaphore_mem>>) src(%dma_wait3A_88 : memref<1x128x128xf32, #tpu.memory_space<vmem>>) dst(%dma_wait3A_84 : memref<1x128x128xf32, #tpu.memory_space<hbm>>)
      tpu.yield
    }) : () -> ()
    return
  }
}

module attributes {stable_mosaic.version = 14 : i64} {
  func.func @_k1_body(%arg0: i32, %arg1: memref<256x8192xi32, #tpu.memory_space<vmem>>, %arg2: memref<256x128xf32, #tpu.memory_space<vmem>>, %arg3: memref<128x128xf32, #tpu.memory_space<vmem>>, %arg4: memref<1x128xf32, #tpu.memory_space<vmem>>, %arg5: memref<1048x128xf32, #tpu.memory_space<vmem>>, %arg6: memref<128x128xf32, #tpu.memory_space<vmem>>, %arg7: memref<1x1x256xi32, #tpu.memory_space<vmem>>, %arg8: memref<256x128xf32, #tpu.memory_space<vmem>>, %arg9: memref<1048x128xf32, #tpu.memory_space<vmem>>) attributes {dimension_semantics = [#tpu.dimension_semantics<arbitrary>], iteration_bounds = array<i64: 16>, scalar_prefetch = 0 : i64, scratch_operands = 0 : i64, tpu.core_type = #tpu.core_type<tc>, window_params = [{transform_indices = @transform_0, window_bounds = array<i64: 256, 8192>}, {transform_indices = @transform_1, window_bounds = array<i64: 256, 128>}, {transform_indices = @transform_2, window_bounds = array<i64: 128, 128>}, {pipeline_mode = #tpu.pipeline_mode<synchronous>, transform_indices = @transform_3, window_bounds = array<i64: 1, 128>}, {pipeline_mode = #tpu.pipeline_mode<synchronous>, transform_indices = @transform_4, window_bounds = array<i64: 1048, 128>}, {transform_indices = @transform_5, window_bounds = array<i64: 128, 128>}, {transform_indices = @transform_6, window_bounds = array<i64: 1, 1, 256>}, {transform_indices = @transform_7, window_bounds = array<i64: 256, 128>}, {pipeline_mode = #tpu.pipeline_mode<synchronous>, transform_indices = @transform_8, window_bounds = array<i64: 1048, 128>}]} {
    %get3A = arith.constant 0 : index
    %get3A_0 = arith.constant 0 : index
    %get3A_1 = vector.load %arg1[%get3A, %get3A_0] : memref<256x8192xi32, #tpu.memory_space<vmem>>, vector<256x8192xi32>
    %reduce_sum3A = arith.constant dense<0> : vector<256xi32>
    %reduce_sum3A_2 = vector.multi_reduction <add>, %get3A_1, %reduce_sum3A [1] : vector<256x8192xi32> to vector<256xi32>
    %min3A = arith.constant 1047 : i32
    %min3A_3 = vector.broadcast %min3A : i32 to vector<256xi32>
    %min3A_4 = arith.minsi %reduce_sum3A_2, %min3A_3 : vector<256xi32>
    %swap3A = arith.constant 0 : index
    %swap3A_5 = arith.constant 0 : index
    %swap3A_6 = arith.constant 0 : index
    %swap3A_7 = vector.load %arg7[%swap3A, %swap3A_5, %swap3A_6] : memref<1x1x256xi32, #tpu.memory_space<vmem>>, vector<1x1x256xi32>
    %swap3A_8 = vector.shape_cast %swap3A_7 : vector<1x1x256xi32> to vector<256xi32>
    %swap3A_9 = vector.shape_cast %min3A_4 : vector<256xi32> to vector<1x1x256xi32>
    tpu.vector_store %arg7[%swap3A, %swap3A_5, %swap3A_6], %swap3A_9 {strides = array<i32>} : memref<1x1x256xi32, #tpu.memory_space<vmem>>, vector<1x1x256xi32>,
    %get3A_10 = arith.constant 0 : index
    %get3A_11 = arith.constant 0 : index
    %get3A_12 = vector.load %arg2[%get3A_10, %get3A_11] : memref<256x128xf32, #tpu.memory_space<vmem>>, vector<256x128xf32>
    %mul3A = arith.constant 0.699999988 : f32
    %mul3A_13 = vector.broadcast %mul3A : f32 to vector<256x128xf32>
    %mul3A_14 = arith.mulf %mul3A_13, %get3A_12 : vector<256x128xf32>
    %get3A_15 = arith.constant 0 : index
    %get3A_16 = arith.constant 0 : index
    %get3A_17 = vector.load %arg3[%get3A_15, %get3A_16] : memref<128x128xf32, #tpu.memory_space<vmem>>, vector<128x128xf32>
    %dot_general3A = arith.constant dense<0.000000e+00> : vector<256x128xf32>
    %dot_general3A_18 = tpu.matmul %mul3A_14, %get3A_17, %dot_general3A {dimension_numbers = #tpu.dot_dimension_numbers<[1], [1], [0], [0], [0, 0, 1, 0], [], []>, transpose_lhs_hint = false} : vector<256x128xf32>, vector<128x128xf32>, vector<256x128xf32> -> vector<256x128xf32>
    %get3A_19 = arith.constant 0 : index
    %get3A_20 = arith.constant 0 : index
    %get3A_21 = vector.load %arg4[%get3A_19, %get3A_20] : memref<1x128xf32, #tpu.memory_space<vmem>>, vector<1x128xf32>
    %add3A = vector.broadcast %get3A_21 : vector<1x128xf32> to vector<256x128xf32>
    %add3A_22 = arith.addf %dot_general3A_18, %add3A : vector<256x128xf32>
    %swap3A_23 = arith.constant 0 : index
    %swap3A_24 = arith.constant 0 : index
    %swap3A_25 = vector.load %arg8[%swap3A_23, %swap3A_24] : memref<256x128xf32, #tpu.memory_space<vmem>>, vector<256x128xf32>
    tpu.vector_store %arg8[%swap3A_23, %swap3A_24], %add3A_22 {strides = array<i32>} : memref<256x128xf32, #tpu.memory_space<vmem>>, vector<256x128xf32>,
    %eq3A = arith.constant 0 : i32
    %eq3A_26 = arith.cmpi eq, %arg0, %eq3A : i32
    %convert_element_type3A = arith.extui %eq3A_26 : i1 to i32
    %cond3A = arith.constant 0 : i32
    %cond3A_27 = arith.cmpi ne, %convert_element_type3A, %cond3A : i32
    scf.if %cond3A_27 {
      %get3A_28 = arith.constant 0 : index
      %get3A_29 = arith.constant 0 : index
      %get3A_30 = vector.load %arg5[%get3A_28, %get3A_29] : memref<1048x128xf32, #tpu.memory_space<vmem>>, vector<1048x128xf32>
      %get3A_31 = arith.constant 0 : index
      %get3A_32 = arith.constant 0 : index
      %get3A_33 = vector.load %arg6[%get3A_31, %get3A_32] : memref<128x128xf32, #tpu.memory_space<vmem>>, vector<128x128xf32>
      %dot_general3A_34 = arith.constant dense<0.000000e+00> : vector<1048x128xf32>
      %dot_general3A_35 = tpu.matmul %get3A_30, %get3A_33, %dot_general3A_34 {dimension_numbers = #tpu.dot_dimension_numbers<[1], [1], [0], [0], [0, 0, 1, 0], [], []>, transpose_lhs_hint = false} : vector<1048x128xf32>, vector<128x128xf32>, vector<1048x128xf32> -> vector<1048x128xf32>
      %mul3A_36 = arith.constant 3.000000e-01 : f32
      %mul3A_37 = vector.broadcast %mul3A_36 : f32 to vector<1048x128xf32>
      %mul3A_38 = arith.mulf %mul3A_37, %dot_general3A_35 : vector<1048x128xf32>
      %swap3A_39 = arith.constant 0 : index
      %swap3A_40 = arith.constant 0 : index
      %swap3A_41 = vector.load %arg9[%swap3A_39, %swap3A_40] : memref<1048x128xf32, #tpu.memory_space<vmem>>, vector<1048x128xf32>
      tpu.vector_store %arg9[%swap3A_39, %swap3A_40], %mul3A_38 {strides = array<i32>} : memref<1048x128xf32, #tpu.memory_space<vmem>>, vector<1048x128xf32>,
    } else {
    }
    return
  }
  func.func @transform_0(%arg0: i32) -> (i32, i32) {
    %c0_i32 = arith.constant 0 : i32
    %c0_i32_0 = arith.constant 0 : i32
    return %arg0, %c0_i32 : i32, i32
  }
  func.func @transform_1(%arg0: i32) -> (i32, i32) {
    %c0_i32 = arith.constant 0 : i32
    %c0_i32_0 = arith.constant 0 : i32
    return %arg0, %c0_i32 : i32, i32
  }
  func.func @transform_2(%arg0: i32) -> (i32, i32) {
    %c0_i32 = arith.constant 0 : i32
    %c0_i32_0 = arith.constant 0 : i32
    %c0_i32_1 = arith.constant 0 : i32
    return %c0_i32, %c0_i32_0 : i32, i32
  }
  func.func @transform_3(%arg0: i32) -> (i32, i32) {
    %c0_i32 = arith.constant 0 : i32
    %c0_i32_0 = arith.constant 0 : i32
    %c0_i32_1 = arith.constant 0 : i32
    return %c0_i32, %c0_i32_0 : i32, i32
  }
  func.func @transform_4(%arg0: i32) -> (i32, i32) {
    %c0_i32 = arith.constant 0 : i32
    %c0_i32_0 = arith.constant 0 : i32
    %c0_i32_1 = arith.constant 0 : i32
    return %c0_i32, %c0_i32_0 : i32, i32
  }
  func.func @transform_5(%arg0: i32) -> (i32, i32) {
    %c0_i32 = arith.constant 0 : i32
    %c1_i32 = arith.constant 1 : i32
    %c0_i32_0 = arith.constant 0 : i32
    return %c0_i32, %c1_i32 : i32, i32
  }
  func.func @transform_6(%arg0: i32) -> (i32, i32, i32) {
    %c0_i32 = arith.constant 0 : i32
    %c0_i32_0 = arith.constant 0 : i32
    %c0_i32_1 = arith.constant 0 : i32
    return %arg0, %c0_i32, %c0_i32_0 : i32, i32, i32
  }
  func.func @transform_7(%arg0: i32) -> (i32, i32) {
    %c0_i32 = arith.constant 0 : i32
    %c0_i32_0 = arith.constant 0 : i32
    return %arg0, %c0_i32 : i32, i32
  }
  func.func @transform_8(%arg0: i32) -> (i32, i32) {
    %c0_i32 = arith.constant 0 : i32
    %c0_i32_0 = arith.constant 0 : i32
    %c0_i32_1 = arith.constant 0 : i32
    return %c0_i32, %c0_i32_0 : i32, i32
  }
}

module attributes {stable_mosaic.version = 14 : i64} {
  func.func @_k1_tail_body(%arg0: i32, %arg1: memref<256x8192xi32, #tpu.memory_space<vmem>>, %arg2: memref<256x128xf32, #tpu.memory_space<vmem>>, %arg3: memref<128x128xf32, #tpu.memory_space<vmem>>, %arg4: memref<1x128xf32, #tpu.memory_space<vmem>>, %arg5: memref<1048x128xf32, #tpu.memory_space<vmem>>, %arg6: memref<256x128xf32, #tpu.memory_space<vmem>>) attributes {dimension_semantics = [#tpu.dimension_semantics<arbitrary>], iteration_bounds = array<i64: 16>, scalar_prefetch = 0 : i64, scratch_operands = 0 : i64, tpu.core_type = #tpu.core_type<tc>, window_params = [{transform_indices = @transform_0, window_bounds = array<i64: 256, 8192>}, {transform_indices = @transform_1, window_bounds = array<i64: 256, 128>}, {transform_indices = @transform_2, window_bounds = array<i64: 128, 128>}, {pipeline_mode = #tpu.pipeline_mode<synchronous>, transform_indices = @transform_3, window_bounds = array<i64: 1, 128>}, {pipeline_mode = #tpu.pipeline_mode<synchronous>, transform_indices = @transform_4, window_bounds = array<i64: 1048, 128>}, {transform_indices = @transform_5, window_bounds = array<i64: 256, 128>}]} {
    %get3A = arith.constant 0 : index
    %get3A_0 = arith.constant 0 : index
    %get3A_1 = vector.load %arg1[%get3A, %get3A_0] : memref<256x8192xi32, #tpu.memory_space<vmem>>, vector<256x8192xi32>
    %reduce_sum3A = arith.constant dense<0> : vector<256xi32>
    %reduce_sum3A_2 = vector.multi_reduction <add>, %get3A_1, %reduce_sum3A [1] : vector<256x8192xi32> to vector<256xi32>
    %min3A = arith.constant 1047 : i32
    %min3A_3 = vector.broadcast %min3A : i32 to vector<256xi32>
    %min3A_4 = arith.minsi %reduce_sum3A_2, %min3A_3 : vector<256xi32>
    %iota3A = tpu.iota {dimensions = array<i32: 1>} : vector<256x1048xi32>
    %broadcast_in_dim3A = vector.shape_cast %min3A_4 : vector<256xi32> to vector<256x1xi32>
    %eq3A = vector.broadcast %broadcast_in_dim3A : vector<256x1xi32> to vector<256x1048xi32>
    %eq3A_5 = arith.cmpi eq, %iota3A, %eq3A : vector<256x1048xi32>
    %convert_element_type3A = arith.extui %eq3A_5 : vector<256x1048xi1> to vector<256x1048xi32>
    %convert_element_type3A_6 = arith.sitofp %convert_element_type3A : vector<256x1048xi32> to vector<256x1048xf32>
    %get3A_7 = arith.constant 0 : index
    %get3A_8 = arith.constant 0 : index
    %get3A_9 = vector.load %arg5[%get3A_7, %get3A_8] : memref<1048x128xf32, #tpu.memory_space<vmem>>, vector<1048x128xf32>
    %dot_general3A = arith.constant dense<0.000000e+00> : vector<256x128xf32>
    %dot_general3A_10 = tpu.matmul %convert_element_type3A_6, %get3A_9, %dot_general3A {dimension_numbers = #tpu.dot_dimension_numbers<[1], [0], [0], [1], [0, 0, 1, 1], [], []>, transpose_lhs_hint = false} : vector<256x1048xf32>, vector<1048x128xf32>, vector<256x128xf32> -> vector<256x128xf32>
    %get3A_11 = arith.constant 0 : index
    %get3A_12 = arith.constant 0 : index
    %get3A_13 = vector.load %arg2[%get3A_11, %get3A_12] : memref<256x128xf32, #tpu.memory_space<vmem>>, vector<256x128xf32>
    %mul3A = arith.constant 0.699999988 : f32
    %mul3A_14 = vector.broadcast %mul3A : f32 to vector<256x128xf32>
    %mul3A_15 = arith.mulf %mul3A_14, %get3A_13 : vector<256x128xf32>
    %get3A_16 = arith.constant 0 : index
    %get3A_17 = arith.constant 0 : index
    %get3A_18 = vector.load %arg3[%get3A_16, %get3A_17] : memref<128x128xf32, #tpu.memory_space<vmem>>, vector<128x128xf32>
    %dot_general3A_19 = arith.constant dense<0.000000e+00> : vector<256x128xf32>
    %dot_general3A_20 = tpu.matmul %mul3A_15, %get3A_18, %dot_general3A_19 {dimension_numbers = #tpu.dot_dimension_numbers<[1], [1], [0], [0], [0, 0, 1, 0], [], []>, transpose_lhs_hint = false} : vector<256x128xf32>, vector<128x128xf32>, vector<256x128xf32> -> vector<256x128xf32>
    %get3A_21 = arith.constant 0 : index
    %get3A_22 = arith.constant 0 : index
    %get3A_23 = vector.load %arg4[%get3A_21, %get3A_22] : memref<1x128xf32, #tpu.memory_space<vmem>>, vector<1x128xf32>
    %add3A = vector.broadcast %get3A_23 : vector<1x128xf32> to vector<256x128xf32>
    %add3A_24 = arith.addf %dot_general3A_20, %add3A : vector<256x128xf32>
    %add3A_25 = arith.addf %add3A_24, %dot_general3A_10 : vector<256x128xf32>
    %swap3A = arith.constant 0 : index
    %swap3A_26 = arith.constant 0 : index
    %swap3A_27 = vector.load %arg6[%swap3A, %swap3A_26] : memref<256x128xf32, #tpu.memory_space<vmem>>, vector<256x128xf32>
    tpu.vector_store %arg6[%swap3A, %swap3A_26], %add3A_25 {strides = array<i32>} : memref<256x128xf32, #tpu.memory_space<vmem>>, vector<256x128xf32>,
    return
  }
  func.func @transform_0(%arg0: i32) -> (i32, i32) {
    %add3A = arith.constant 16 : i32
    %add3A_0 = arith.addi %add3A, %arg0 : i32
    %c0_i32 = arith.constant 0 : i32
    %c0_i32_1 = arith.constant 0 : i32
    return %add3A_0, %c0_i32 : i32, i32
  }
  func.func @transform_1(%arg0: i32) -> (i32, i32) {
    %add3A = arith.constant 16 : i32
    %add3A_0 = arith.addi %add3A, %arg0 : i32
    %c0_i32 = arith.constant 0 : i32
    %c0_i32_1 = arith.constant 0 : i32
    return %add3A_0, %c0_i32 : i32, i32
  }
  func.func @transform_2(%arg0: i32) -> (i32, i32) {
    %c0_i32 = arith.constant 0 : i32
    %c0_i32_0 = arith.constant 0 : i32
    %c0_i32_1 = arith.constant 0 : i32
    return %c0_i32, %c0_i32_0 : i32, i32
  }
  func.func @transform_3(%arg0: i32) -> (i32, i32) {
    %c0_i32 = arith.constant 0 : i32
    %c0_i32_0 = arith.constant 0 : i32
    %c0_i32_1 = arith.constant 0 : i32
    return %c0_i32, %c0_i32_0 : i32, i32
  }
  func.func @transform_4(%arg0: i32) -> (i32, i32) {
    %c0_i32 = arith.constant 0 : i32
    %c0_i32_0 = arith.constant 0 : i32
    %c0_i32_1 = arith.constant 0 : i32
    return %c0_i32, %c0_i32_0 : i32, i32
  }
  func.func @transform_5(%arg0: i32) -> (i32, i32) {
    %c0_i32 = arith.constant 0 : i32
    %c0_i32_0 = arith.constant 0 : i32
    return %arg0, %c0_i32 : i32, i32
  }
}

</mosaic_0001>

<sc_bundles>
// kernel: kernel.5.cloned.1.call-start
scs
__scs_entry_jumppad:
0x0: {  	(pc) =	sbr.rel $0x88, $3  }
0x1: {  	(tag) =	ssettag $0x0;
	lr =	simm.s32 $0x1  }
0x2: {  	[smem:$0x3F9C] =	sst lr;
	_ =	strace $0xD0000000  }
0x3: {  	_ = 	snop  }
0x4: {  	_ = 	snop  }
0x5: {  	_ = 	snop  }
0x6: {  	_ = 	snop  }
0x7: {  	_ = 	snop  }
__scs_overlays_trampoline_lowered:
0x8: {  	[smem:$0x3FAB] =	sst s0  }
0x9: {  	[smem:$0x3FAC] =	sst s1  }
0xa: {  	[smem:$0x3FAD] =	sst s2  }
0xb: {  	[smem:$0x3FAE] =	sst s3  }
0xc: {  	[smem:$0x3FAF] =	sst s4  }
0xd: {  	[smem:$0x3FB0] =	sst s5  }
0xe: {  	[smem:$0x3FB1] =	sst s6  }
0xf: {  	[smem:$0x3FB2] =	sst s7  }
0x10: {  	[smem:$0x3FB3] =	sst s8  }
0x11: {  	[smem:$0x3FB4] =	sst s9;
	s0 =	simm.s32 @!p0 $0x0  }
0x12: {  	s1 =	sld [smem:$0x3F9A];
	s0 =	simm.s32 @p0 $0x1  }
0x13: {  	[smem:$0x3FB5] =	sst s0;
	s0 =	simm.s32 @!p1 $0x0  }
0x14: {  	s2 =	sld [smem:$0x3F99];
	s0 =	simm.s32 @p1 $0x1  }
0x15: {  	[smem:$0x3FB6] =	sst s0;
	s0 =	simm.s32 @!p2 $0x0  }
0x16: {  	s3 =	sld [smem:$0x3FDB];
	s0 =	simm.s32 @p2 $0x1  }
0x17: {  	s4 =	simm.s32 $0x1BF5;
	[smem:$0x3FB8] =	sst s0  }
0x18: {  	s0 =	sld [smem:$0x3F9B];
	_ =	swait.ge [sflag:s4], $0x0  }
0x19: {  	s7 =	sld [smem:$0x3F9C]  }
0x1a: {  	s8 =	sadd.s32 $0xFFFFE003, lr  }
0x1b: {  	s9 =	sadd.s32 $0xFFFFFEF7, lr;
	s5 =	simm.s32 $0xFFFFFFFF;
	p2 =	slt.u32 s8, $0xFFFFF086  }
0x1c: {  	p1 =	slt.u32 s9, $0xF7A;
	s5 =	simm.s32 @!p2 $0x0  }
0x1d: {  	s5 =	simm.s32 @p1 $0x1;
	p0 =	seq.s32 s7, s2  }
0x1e: {  	s7 =	smul.u32 @!p0 $0xF7A, s2;
	p2 =	seq.s32 @!p0 s5, $0x0  }
0x1f: {  	s9 =	smul.u32 $0xF7A, s1;
	s8 =	simm.s32 @!p0 $0x1BF5;
	p2 =	por !p2, p0  }
0x20: {  	[sflag:s8] =	ssyncset.s32 @!p0 $0xFFFFF086;
	s6 =	sadd.s32 @!p0 s3, s7;
	s7 =	simm.s32 @!p0 $0x108  }
0x21: {  	s3 =	sadd.s32 s3, s9;
	s6 =	sadd.s32 @!p0 $0x88, s6;
	s7 =	simm.s32 @p2 $0x1082  }
0x22: {  	[simem:s7], [sflag:s8] =	dma.local @!p0 [hbm:s6], $0xF7A  }
0x23: {  	s9 =	sor.u32 $0xD0000000, s2;
	s6 =	simm.s32 $0x108;
	_ =	swait.ge @!p0 [sflag:s8], $0x0  }
0x24: {  	s3 =	sadd.s32 $0x88, s3;
	s6 =	simm.s32 @!p1 $0x1082;
	[sflag:s4] =	ssyncset.s32 $0xFFFFF086  }
0x25: {  	[simem:s6], [sflag:s4] =	dma.local [hbm:s3], $0xF7A  }
0x26: {  	[smem:$0x3F9C] =	sst s1;
	(tag) =	ssettag s2;
	_ =	strace s9  }
0x27: {  	s1 =	sld [smem:$0x3FAC]  }
0x28: {  	s2 =	sld [smem:$0x3FAD]  }
0x29: {  	s4 =	sld [smem:$0x3FAF]  }
0x2a: {  	p0 =	seq.s32 s5, $0x0;
	s5 =	sld [smem:$0x3FB0]  }
0x2b: {  	s6 =	sld [smem:$0x3FB1]  }
0x2c: {  	s7 =	sld [smem:$0x3FB2]  }
0x2d: {  	s3 =	simm.s32 $0x108;
	s8 =	sld [smem:$0x3FB3]  }
0x2e: {  	s3 =	simm.s32 @!p0 $0x1082;
	s9 =	sld [smem:$0x3FB4]  }
0x2f: {  	lr =	sadd.s32 s0, s3;
	s0 =	sld [smem:$0x3FAB]  }
0x30: {  	s3 =	sld [smem:$0x3FAE]  }
0x31: {  	[smem:$0x3FB7] =	sst s10  }
0x32: {  	s10 =	sld [smem:$0x3FB5];
	_ =	sdelay $0x3  }
0x33: {  	p0 =	seq.s32 s10, $0x1;
	s10 =	sld [smem:$0x3FB7];
	_ =	sdelay $0x3  }
0x34: {  	[smem:$0x3FB7] =	sst s10  }
0x35: {  	s10 =	sld [smem:$0x3FB6];
	_ =	sdelay $0x3  }
0x36: {  	p1 =	seq.s32 s10, $0x1;
	s10 =	sld [smem:$0x3FB7];
	_ =	sdelay $0x3  }
0x37: {  	[smem:$0x3FB7] =	sst s10  }
0x38: {  	s10 =	sld [smem:$0x3FB8]  }
0x39: {  	_ = 	snop;
	(pc) =	sbr.ind lr, $3  }
0x3a: {  	_ = 	snop  }
0x3b: {  	_ = 	snop  }
0x3c: {  	p2 =	seq.s32 s10, $0x1;
	s10 =	sld [smem:$0x3FB7]  }
0x3d: {  	_ =	shalt  }
0x3e: {  	_ =	shalt  }
0x3f: {  	_ =	shalt  }
0x40: {  	_ =	shalt  }
0x41: {  	_ =	shalt  }
0x42: {  	_ =	shalt  }
0x43: {  	_ =	shalt  }
0x44: {  	_ =	shalt  }
0x45: {  	_ =	shalt  }
0x46: {  	_ =	shalt  }
0x47: {  	_ =	shalt  }
0x48: {  	_ =	shalt  }
0x49: {  	_ =	shalt  }
0x4a: {  	_ =	shalt  }
0x4b: {  	_ =	shalt  }
0x4c: {  	_ =	shalt  }
0x4d: {  	_ =	shalt  }
0x4e: {  	_ =	shalt  }
0x4f: {  	_ =	shalt  }
0x50: {  	_ =	shalt  }
0x51: {  	_ =	shalt  }
0x52: {  	_ =	shalt  }
0x53: {  	_ =	shalt  }
0x54: {  	_ =	shalt  }
0x55: {  	_ =	shalt  }
0x56: {  	_ =	shalt  }
0x57: {  	_ =	shalt  }
0x58: {  	_ =	shalt  }
0x59: {  	_ =	shalt  }
0x5a: {  	_ =	shalt  }
0x5b: {  	_ =	shalt  }
0x5c: {  	_ =	shalt  }
0x5d: {  	_ =	shalt  }
0x5e: {  	_ =	shalt  }
0x5f: {  	_ =	shalt  }
0x60: {  	_ =	shalt  }
0x61: {  	_ =	shalt  }
0x62: {  	_ =	shalt  }
0x63: {  	_ =	shalt  }
0x64: {  	_ =	shalt  }
0x65: {  	_ =	shalt  }
0x66: {  	_ =	shalt  }
0x67: {  	_ =	shalt  }
0x68: {  	_ =	shalt  }
0x69: {  	_ =	shalt  }
0x6a: {  	_ =	shalt  }
0x6b: {  	_ =	shalt  }
0x6c: {  	_ =	shalt  }
0x6d: {  	_ =	shalt  }
0x6e: {  	_ =	shalt  }
0x6f: {  	_ =	shalt  }
0x70: {  	_ =	shalt  }
0x71: {  	_ =	shalt  }
0x72: {  	_ =	shalt  }
0x73: {  	_ =	shalt  }
0x74: {  	_ =	shalt  }
0x75: {  	_ =	shalt  }
0x76: {  	_ =	shalt  }
0x77: {  	_ =	shalt  }
0x78: {  	_ =	shalt  }
0x79: {  	_ =	shalt  }
0x7a: {  	_ =	shalt  }
0x7b: {  	_ =	shalt  }
0x7c: {  	_ =	shalt  }
0x7d: {  	_ =	shalt  }
0x7e: {  	_ =	shalt  }
0x7f: {  	_ =	shalt  }
0x80: {  	_ =	shalt  }
0x81: {  	_ =	shalt  }
0x82: {  	_ =	shalt  }
0x83: {  	_ =	shalt  }
0x84: {  	_ =	shalt  }
0x85: {  	_ =	shalt  }
0x86: {  	_ =	shalt  }
0x87: {  	_ =	shalt  }
.Lfunc_end0:
.L_simem_size_0:
called_computation_lowered:
.L_overlay_start_0:
0x88: {  	s2 =	sld [smem:$0x3FD9]  }
0x89: {  	s3 =	sld [smem:$0x3FFE];
	_ =	sdelay $0x1  }
0x8a: {  	s1 =	srdreg.scid  }
0x8b: {  	s0 =	sand.u32 $0x1, s1  }
0x8c: {  	s17 =	sshll.u32 s0, $0xA;
	s2 =	sadd.s32 s3, s2  }
0x8d: {  	s2 =	sadd.s32 s2, s17  }
0x8e: {  	[smem:$0x3FC3] =	sst s2  }
0x8f: {  	_ = 	snop  }
0x90: {  	s2 =	sld [smem:$0x3FD0];
	(tm) =	ssettm $0x1  }
0x91: {  	s18 =	sld [smem:$0x3FFB];
	_ =	sdelay $0x3  }
0x92: {  	_ =	strace s18  }
0x93: {  	s3 =	sld [smem:$0x3FFC];
	_ =	sdelay $0x3  }
0x94: {  	_ =	strace s3  }
0x95: {  	s3 =	sld [smem:$0x3FFD];
	_ =	sdelay $0x3  }
0x96: {  	_ =	strace s3  }
0x97: {  	_ =	strace $0x8FFFFFFF  }
0x98: {  	s19 =	sld [smem:$0x3FDB];
	_ =	sdelay $0x1  }
0x99: {  	s4 =	simm.s32 $_scs_section_size  }
0x9a: {  	s5 =	simm.s32 $_size__tile_overlayer_lowered;
	s6 =	simm.s32 $_tile_overlayer_lowered  }
0x9b: {  	s22 =	simm.s32 $0x1BFF;
	s21 =	sshll.u32 s6, $0x1;
	s3 =	sadd.s32 s4, s19  }
0x9c: {  	s7 =	simm.s32 $0x0;
	s20 =	sshll.u32 s5, $0x1;
	s5 =	sadd.s32 s21, s3  }
0x9d: {  	[timem:s7], [sflag:s22] =	dma.local [hbm:s5], s20  }
0x9e: {  	_ =	swait.ge [sflag:s22], s20  }
0x9f: {  	s4 =	ssub.s32 $0x0, s20;
	[sflag:s22] =	ssyncset.done $0x0  }
0xa0: {  	[sflag:s22] =	ssyncadd.s32 s4;
	_ =	sdelay $0x1  }
0xa1: {  	s23 =	simm.s32 $0x1B8B  }
0xa2: {  	_ =	swait.ge [sflag:s23], $0x1  }
0xa3: {  	[sflag:s23] =	ssyncset.done $0x0  }
0xa4: {  	s25 =	simm.s32 $0x1B8E;
	s24 =	sld [smem:$0x3FFE];
	[sflag:s23] =	ssyncadd.s32 $0xFFFFFFFF  }
0xa5: {  	s26 =	simm.s32 $execute0_lowered;
	[smem:$0x3FD2] =	sst s25  }
0xa6: {  	s5 =	sshll.u32 s26, $0x1;
	_ =	strace $0x80000046;
	[dreg:$0x1] =	wrdreg $0xFFFFFFFF  }
0xa7: {  	s28 =	simm.s32 $_size_execute0_lowered;
	s3 =	sadd.s32 s3, s5;
	[dreg:$0x0] =	wrdreg $0x0  }
0xa8: {  	s5 =	sshll.u32 s28, $0x1;
	[dreg:$0x2] =	wrdreg s3  }
0xa9: {  	[dreg:$0x3] =	wrdreg s5  }
0xaa: {  	[dreg:$0x4] =	wrdreg $0xC0  }
0xab: {  	_ =	task [dreg:s7], $0x5FFFF  }
0xac: {  	[dreg:$0x1] =	wrdreg $0xFFFFFFFF  }
0xad: {  	[dreg:$0x0] =	wrdreg $0x60  }
0xae: {  	[dreg:$0x2] =	wrdreg s24  }
0xaf: {  	[dreg:$0x3] =	wrdreg s2  }
0xb0: {  	[dreg:$0x4] =	wrdreg $0x0  }
0xb1: {  	[dreg:$0x5] =	wrdreg $0x9  }
0xb2: {  	_ =	task.clear_ibuf [dreg:s7], $0x6FFFF;
	_ =	strace $0x90000046  }
0xb3: {  	s29 =	simm.s32 $0x9;
	_ =	strace $0x80000048  }
0xb4: {  	_ =	swait.ge [sflag:s29], $0x1  }
0xb5: {  	[sflag:s29] =	ssyncadd.s32 $0xFFFFFFFF  }
0xb6: {  	_ =	strace $0x90000048  }
0xb7: {  	_ =	sfence  }
0xb8: {  	s30 =	sld [smem:$0x0];
	_ =	sdelay $0x2  }
0xb9: {  	s31 =	sshll.u32 s1, $0xD;
	s1 =	sshrl.u32 s1, $0x2  }
0xba: {  	s3 =	sand.u32 $0x4000, s31;
	s1 =	sadd.s32 s1, s30  }
0xbb: {  	s0 =	sor.u32 s3, s0;
	s1 =	sshll.u32 s1, $0x11  }
0xbc: {  	s0 =	sor.u32 s1, s0  }
0xbd: {  	s0 =	sadd.s32 $0x8F2B, s0  }
0xbe: {  	[sflag:s0] =	ssyncadd.remote.s32 $0x1  }
0xbf: {  	_ =	sfence.sel $0xFFFF  }
0xc0: {  	[dreg:$0x0] =	wrdreg $0xFFFFFFFF;
	(pc) =	sbr.abs _section_cstart, $3  }
0xc1: {  	[dreg:$0x1] =	wrdreg $0xFFFFFFFF  }
0xc2: {  	_ =	task.clear_ibuf [dreg:s7], $0x2FFFF;
	_ =	strace $0x9FFFFFFF  }
0xc3: {  	(tm) =	ssettm $0x7FFFFFFF  }
tec
execute0_lowered:
.L_overlay_start_1:
0x0: {  	(tag) =	ssettag $0x1  }
0x1: {  	s3 =	rddreg [dreg:$0x0]  }
0x2: {  	s6 =	rddreg [dreg:$0x1]  }
0x3: {  	s1 =	rddreg [dreg:$0x2]  }
0x4: {  	s0 =	rddreg [dreg:$0x3]  }
0x5: {  	s4 =	srdreg.scid;
	s8 =	stileid.u32;
	s2 =	simm.s32 $0x0  }
0x6: {  	s11 =	simm.s32 $0x6140;
	s12 =	simm.s32 $0x80;
	s13 =	simm.s32 $0x2140  }
0x7: {  	s14 =	simm.s32 $0x2;
	s15 =	simm.s32 $0x1;
	s16 =	simm.s32 $0x0  }
0x8: {  	s4 =	sand.u32 $0x1, s4;
	s5 =	sshll.u32 s8, $0x1;
	[smem:$0x7FF] =	sst s2  }
0x9: {  	p0 =	sne.s32 s8, $0x0;
	s5 =	sor.u32 s4, s5;
	_ =	strace $0x80000047  }
0xa: {  	s4 =	ssub.s32 $0x2, s4;
	s8 =	sshrl.u32 @!p0 s1, $0x3;
	s7 =	sshll.u32 s5, $0x4  }
0xb: {  	s9 =	sshll.u32 s5, $0xB;
	s10 =	sshrl.u32 s4, $0x1;
	s7 =	sadd.s32 s7, s3  }
0xc: {  	s5 =	sadd.s32 s9, s3;
	s3 =	sadd.s32 $0x11A00, s3;
	s10 =	ssub.s32 s4, s10  }
0xd: {  	s6 =	sadd.s32 s6, s9;
	s9 =	simm.s32 $0x20C0;
	s4 =	sadd.s32 $0x15C00, s7  }
0xe: {  	s5 =	sadd.s32 $0x1A00, s5;
	s7 =	smax.u32 s10, $0x1;
	s10 =	simm.s32 $0x3  }
.LBB2_1:
0xf: {  	s17 =	simm.s32 @!p0 $0x1C03  }
0x10: {  	[spmem:s8], [sflag:s17] =	dma.local @!p0 [hbm:s3], $0x4180  }
0x11: {  	s17 =	simm.s32 @!p0 $0x3  }
0x12: {  	_ =	swait.ge @!p0 [sflag:s17], $0x4180  }
0x13: {  	[sflag:s17] =	ssyncset.done @!p0 $0x0  }
0x14: {  	[sflag:s17] =	ssyncadd.s32 @!p0 $0xFFFFBE80  }
0x15: {  	[bflag:$0x0] =	sbarrier.arrive $0xFFFF  }
0x16: {  	[tilespmem:s9], [sflag:$0x3] =	stream.linear.gather [hbm4b:s4+s2], $0x80, $0x38;
	[tilespmem:$0xA140] =	vst v63  }
0x17: {  	_ =	swait.ge [sflag:s10], $0x80  }
0x18: {  	[sflag:s10] =	ssyncset.done $0x0  }
0x19: {  	[sflag:s10] =	ssyncadd.s32 $0xFFFFFF80  }
0x1a: {  	[tilespmem:s11], [sflag:$0x2] =	stream.linear.gather [hbm4b:s5+s2], $0x4000, $0x38;
	[tilespmem:$0xA140] =	vst v63  }
0x1b: {  	_ = 	snop  }
0x1c: {  	[tilespmem:s13], [sflag:$0x1] =	stream.indirect.gather [spmem:s1], $0x80, s9, s12, $0xb8;
	[tilespmem:$0xA140] =	vst v63  }
0x1d: {  	_ =	swait.ge [sflag:s14], $0x4000  }
0x1e: {  	[sflag:s14] =	ssyncset.done $0x0  }
0x1f: {  	[sflag:s14] =	ssyncadd.s32 $0xFFFFC000  }
0x20: {  	_ =	swait.ge [sflag:s15], $0x4000  }
0x21: {  	[sflag:s15] =	ssyncset.done $0x0  }
0x22: {  	s17 =	simm.s32 $0x0;
	[sflag:s15] =	ssyncadd.s32 $0xFFFFC000  }
0x23: {  	v0 =	vld [tilespmem:s17+$0x21B0]  }
0x24: {  	v1 =	vld [tilespmem:s17+$0x61B0]  }
0x25: {  	v2 =	vld [tilespmem:s17+$0x2140]  }
0x26: {  	v3 =	vld [tilespmem:s17+$0x6140]  }
0x27: {  	v4 =	vld [tilespmem:s17+$0x2150]  }
0x28: {  	v5 =	vld [tilespmem:s17+$0x6150]  }
0x29: {  	v6 =	vld [tilespmem:s17+$0x2160]  }
0x2a: {  	v7 =	vld [tilespmem:s17+$0x2170]  }
0x2b: {  	v0 =	vadd.f32 v1, v0;
	v1 =	vld [tilespmem:s17+$0x6160]  }
0x2c: {  	v2 =	vadd.f32 v3, v2;
	v3 =	vld [tilespmem:s17+$0x6170]  }
0x2d: {  	v8 =	vld [tilespmem:s17+$0x6180]  }
0x2e: {  	[tilespmem:s17+$0x21B0] =	vst v0;
	v0 =	vadd.f32 v5, v4;
	v4 =	vld [tilespmem:s17+$0x2180]  }
0x2f: {  	[tilespmem:s17+$0x2140] =	vst v2;
	v2 =	vld [tilespmem:s17+$0x6190]  }
0x30: {  	[tilespmem:s17+$0x2150] =	vst v0;
	v0 =	vld [tilespmem:s17+$0x2190];
	v1 =	vadd.f32 v1, v6  }
0x31: {  	v6 =	vadd.f32 v3, v7;
	v3 =	vld [tilespmem:s17+$0x61A0]  }
0x32: {  	s18 =	simm.s32 $0x80;
	[tilespmem:s17+$0x2160] =	vst v1;
	v1 =	vld [tilespmem:s17+$0x21A0]  }
0x33: {  	s19 =	simm.s32 $0x400;
	v5 =	vld [tilespmem:s18+$0x21B0];
	[tilespmem:s17+$0x2170] =	vst v6;
	v4 =	vadd.f32 v8, v4  }
.LBB2_2:
0x34: {  	p1 =	sne.s32 s19, $0xFE00;
	v6 =	vld [tilespmem:s18+$0x61B0]  }
0x35: {  	v7 =	vld [tilespmem:s18+$0x2140];
	[tilespmem:s17+$0x2180] =	vst v4;
	v0 =	vadd.f32 v2, v0  }
0x36: {  	v2 =	vld [tilespmem:s18+$0x6140]  }
0x37: {  	v4 =	vld [tilespmem:s18+$0x2150];
	[tilespmem:s17+$0x2190] =	vst v0;
	v0 =	vadd.f32 v3, v1  }
0x38: {  	v1 =	vld [tilespmem:s18+$0x6150]  }
0x39: {  	v3 =	vld [tilespmem:s18+$0x2160];
	v5 =	vadd.f32 v6, v5;
	[tilespmem:s17+$0x21A0] =	vst v0;
	s17 =	smov.u32 s18  }
0x3a: {  	v0 =	vld [tilespmem:s17+$0x6160]  }
0x3b: {  	v2 =	vadd.f32 v2, v7;
	v6 =	vld [tilespmem:s17+$0x2170];
	[tilespmem:s17+$0x21B0] =	vst v5  }
0x3c: {  	v5 =	vld [tilespmem:s17+$0x6170]  }
0x3d: {  	[tilespmem:s17+$0x2140] =	vst v2;
	v1 =	vadd.f32 v1, v4;
	v4 =	vld [tilespmem:s17+$0x2180]  }
0x3e: {  	v7 =	vld [tilespmem:s17+$0x6180]  }
.Ltmp0:
0x3f: {  	[tilespmem:s17+$0x2150] =	vst v1;
	v1 =	vadd.f32 v0, v3;
	v0 =	vld [tilespmem:s17+$0x2190];
	(pc) =	sbr.rel @p1 .LBB2_2-.Ltmp0, $4  }
0x40: {  	v2 =	vld [tilespmem:s17+$0x6190]  }
0x41: {  	[tilespmem:s17+$0x2160] =	vst v1;
	v6 =	vadd.f32 v5, v6;
	v1 =	vld [tilespmem:s17+$0x21A0]  }
0x42: {  	s18 =	sshra.s32 s19, $0x2;
	v3 =	vld [tilespmem:s17+$0x61A0]  }
0x43: {  	s19 =	sadd.s32 $0x200, s19;
	v5 =	vld [tilespmem:s18+$0x21B0];
	[tilespmem:s17+$0x2170] =	vst v6;
	v4 =	vadd.f32 v7, v4  }
0x44: {  	v6 =	vld [tilespmem:s18+$0x61B0]  }
0x45: {  	v7 =	vld [tilespmem:s18+$0x2140]  }
0x46: {  	v8 =	vld [tilespmem:s18+$0x6140]  }
0x47: {  	v9 =	vld [tilespmem:s18+$0x2150]  }
0x48: {  	v10 =	vld [tilespmem:s18+$0x6150]  }
0x49: {  	v11 =	vld [tilespmem:s18+$0x2160]  }
0x4a: {  	v51 =	vld [tilespmem:s18+$0x6160]  }
0x4b: {  	v12 =	vld [tilespmem:s18+$0x2170]  }
0x4c: {  	v52 =	vld [tilespmem:s18+$0x6170]  }
0x4d: {  	v54 =	vld [tilespmem:s18+$0x2180]  }
0x4e: {  	v55 =	vld [tilespmem:s18+$0x6180];
	v0 =	vadd.f32 v2, v0  }
0x4f: {  	v56 =	vld [tilespmem:s18+$0x2190];
	[tilespmem:s17+$0x2180] =	vst v4;
	v1 =	vadd.f32 v3, v1  }
0x50: {  	v57 =	vld [tilespmem:s18+$0x6190];
	[tilespmem:s17+$0x2190] =	vst v0;
	v5 =	vadd.f32 v6, v5  }
0x51: {  	v58 =	vld [tilespmem:s18+$0x21A0];
	v7 =	vadd.f32 v8, v7;
	[tilespmem:s17+$0x21A0] =	vst v1  }
0x52: {  	v59 =	vld [tilespmem:s18+$0x61A0];
	v53 =	vadd.f32 v10, v9;
	[tilespmem:s18+$0x21B0] =	vst v5  }
0x53: {  	v6 =	vadd.f32 v51, v11;
	[tilespmem:s18+$0x2140] =	vst v7  }
0x54: {  	v60 =	vadd.f32 v52, v12;
	[tilespmem:s18+$0x2150] =	vst v53  }
0x55: {  	v61 =	vadd.f32 v55, v54;
	[tilespmem:s18+$0x2160] =	vst v6  }
0x56: {  	v62 =	vadd.f32 v57, v56;
	[tilespmem:s18+$0x2170] =	vst v60  }
0x57: {  	s16 =	sadd.s32 $0x1, s16;
	v63 =	vadd.f32 v59, v58;
	[tilespmem:s18+$0x2180] =	vst v61  }
0x58: {  	p1 =	sne.s32 s16, s7;
	[tilespmem:s18+$0x2190] =	vst v62  }
.Ltmp1:
0x59: {  	[tilespmem:s18+$0x21A0] =	vst v63;
	(pc) =	sbr.rel @p1 .LBB2_1-.Ltmp1, $4  }
0x5a: {  	[hbm4b:s6+s2] =	stream.linear.scatter [tilespmem:s13], [sflag:$0x3], $0x4000, $0x38;
	[tilespmem:$0xA140] =	vst v63  }
0x5b: {  	_ =	swait.ge [sflag:s10], $0x4000  }
0x5c: {  	[sflag:s10] =	ssyncset.done $0x0  }
0x5d: {  	[sflag:s10] =	ssyncadd.s32 $0xFFFFC000  }
0x5e: {  	_ =	sfence.sel $0x180000  }
0x5f: {  	[bflag:$0x0] =	sbarrier.arrive $0xFFFF  }
0x60: {  	_ =	strace $0x90000047  }
0x61: {  	s0 =	sadd.s32 @!p0 $0x100000, s0;
	[bflag:$0x2] =	sbarrier.arrive $0xFFFF  }
0x62: {  	[sflag:s0] =	ssyncadd.tile.s32 @!p0 $0x1;
	_ =	shalt  }
.Lfunc_end2:
_tile_overlayer_lowered:
.L_overlay_start_2:
0x63: {  	(tag) =	ssettag $0x2  }
0x64: {  	s0 =	rddreg [dreg:$0x0];
	s2 =	stileid.u32  }
0x65: {  	s1 =	rddreg [dreg:$0x1];
	p0 =	sne.s32 s2, $0x0  }
0x66: {  	s3 =	rddreg [dreg:$0x2];
	[bflag:$0x3] =	sbarrier.arrive $0xFFFF;
	s2 =	simm.s32 @!p0 $0x1C03  }
0x67: {  	[timem:s3], [sflag:s2] =	dma.local @!p0 [hbm:s0], s1  }
0x68: {  	s0 =	simm.s32 @!p0 $0x3  }
0x69: {  	_ =	swait.ge @!p0 [sflag:s0], s1  }
0x6a: {  	s1 =	ssub.s32 @!p0 $0x0, s1;
	[sflag:s0] =	ssyncset.done @!p0 $0x0  }
0x6b: {  	[sflag:s0] =	ssyncadd.s32 @!p0 s1  }
0x6c: {  	[bflag:$0x3] =	sbarrier.arrive $0xFFFF  }
0x6d: {  	_ =	shalt  }

</sc_bundles>
